<compile_context>
chip_gen: v7x
topology: tpu7x:2x2x1
jax: 0.10.2.dev20260603
libtpu: 0.0.44.dev20260713+nightly
codegen_flags: <defaults>
</compile_context>

<pallas_src>
import functools

import jax
import jax.numpy as jnp
from jax import lax
from jax.experimental import pallas as pl
from jax.experimental.pallas import tpu as pltpu
from jax.experimental.pallas import tpu_sc as plsc

K = 8192
C = 32
N = 8192
NT = 256
NB = N // NT
T_LOSS = 0.25

NW = 32
RPW = N // NW
FLAT = RPW * C


def _oh_block(enc_ref, oh_ref):
    idx = enc_ref[0, 0, :]
    iot = lax.broadcasted_iota(jnp.int32, (NT, K), 1)
    oh_ref[...] = jnp.where(iot == idx[:, None], 1.0, 0.0).astype(jnp.float32)


@functools.partial(
    pl.kernel,
    mesh=plsc.VectorSubcoreMesh(core_axis_name="c", subcore_axis_name="s"),
    out_type=[
        jax.ShapeDtypeStruct((N * C,), jnp.float32),
        jax.ShapeDtypeStruct((NW, 16), jnp.float32),
    ],
    scratch_types=[
        pltpu.VMEM((RPW,), jnp.int32),
        pltpu.VMEM((RPW, 128), jnp.float32),
        pltpu.VMEM((FLAT,), jnp.float32),
        pltpu.VMEM((FLAT,), jnp.float32),
        pltpu.VMEM((16,), jnp.float32),
        pltpu.SemaphoreType.DMA,
    ],
)
def _sc_quantize(w_hbm, enc_hbm, xf_hbm, qs_hbm, lp_hbm,
                 idx_v, rows_v, x_v, qs_v, acc_v, sem):
    wid = lax.axis_index("s") * 2 + lax.axis_index("c")
    base = wid * RPW
    pltpu.sync_copy(enc_hbm.at[pl.ds(base, RPW)], idx_v)
    pltpu.async_copy(w_hbm.at[idx_v], rows_v, sem).wait()
    pltpu.sync_copy(xf_hbm.at[pl.ds(base * C, FLAT)], x_v)
    acc_v[...] = jnp.zeros((16,), jnp.float32)

    def body(i, carry):
        for c2 in range(2):
            q = rows_v[i, pl.ds(c2 * 16, 16)]
            xx = x_v[pl.ds(i * C + c2 * 16, 16)]
            d = q - xx
            qs_v[pl.ds(i * C + c2 * 16, 16)] = xx + d
            acc_v[...] = acc_v[...] + d * d
        return carry

    lax.fori_loop(0, RPW, body, 0)
    pltpu.sync_copy(qs_v, qs_hbm.at[pl.ds(base * C, FLAT)])
    pltpu.sync_copy(acc_v, lp_hbm.at[wid])


def kernel(x, embedding_weight):
    x_p = jnp.transpose(x, (0, 2, 3, 1))
    x_flat = x_p.reshape(-1, C)
    distances = (jnp.sum(x_flat ** 2, axis=1, keepdims=True)
                 + jnp.sum(embedding_weight ** 2, axis=1)
                 - 2.0 * jnp.matmul(x_flat, embedding_weight.T))
    encoded_e = jnp.argmin(distances, axis=1)

    xb = lax.optimization_barrier(x)
    xf2 = jnp.transpose(xb, (0, 2, 3, 1)).reshape(N, C)
    enc_b, w_b = lax.optimization_barrier((encoded_e, embedding_weight))

    oh = pl.pallas_call(
        _oh_block,
        grid=(NB,),
        in_specs=[pl.BlockSpec((1, 1, NT), lambda i: (i, 0, 0))],
        out_specs=pl.BlockSpec((NT, K), lambda i: (i, 0)),
        out_shape=jax.ShapeDtypeStruct((N, K), jnp.float32),
    )(enc_b.reshape(NB, 1, NT))

    w_pad = jnp.pad(w_b, ((0, 0), (0, 128 - C)))
    qs_flat, lp = _sc_quantize(w_pad, enc_b, xf2.reshape(-1))

    mse = jnp.sum(lp) / (N * C)
    loss = mse + T_LOSS * mse
    quantized_out = jnp.transpose(qs_flat.reshape(2, 64, 64, C), (0, 3, 1, 2))
    return (loss, quantized_out, oh, encoded_e)

# --- scband reference (transcript-rebuilt; emitter-appended) ---
"""Pipeline reference for scband-vq-30253749633315 (READ-ONLY COPY).

The authoritative reference and input builder live on the scoring server;
editing this copy changes nothing except your own understanding.
"""

import jax, jax.numpy as jnp
import numpy as np

LEN_E = 8192
SIZE_E = 32
THRESHOLD_LOSS = 0.25


def setup_inputs(seed: int = 0) -> dict:
    key = jax.random.key(seed)
    kx, kw = jax.random.split(key)
    x = jax.random.normal(kx, (2, 32, 64, 64), dtype=jnp.float32)
    embedding_weight = jax.random.uniform(kw, (LEN_E, SIZE_E), dtype=jnp.float32, minval=-1.0 / LEN_E, maxval=1.0 / LEN_E)
    return {"x": x, "embedding_weight": embedding_weight}


def reference(x, embedding_weight):
    # x: [B, C, H, W] with C == SIZE_E
    x_p = jnp.transpose(x, (0, 2, 3, 1))  # [B, H, W, C]
    x_flat = x_p.reshape(-1, SIZE_E)      # [N, C]
    # squared L2 distances to each codebook entry
    distances = (jnp.sum(x_flat ** 2, axis=1, keepdims=True)
                 + jnp.sum(embedding_weight ** 2, axis=1)
                 - 2.0 * jnp.matmul(x_flat, embedding_weight.T))  # [N, K]
    encoded_e = jnp.argmin(distances, axis=1)  # [N]
    # one-hot encodings (scatter of 1s)
    index_e = jax.nn.one_hot(encoded_e, LEN_E, dtype=x.dtype)  # [N, K]
    # quantize via one-hot @ codebook (equivalent to gather)
    quantized_x = jnp.matmul(index_e, embedding_weight).reshape(x_p.shape)  # [B, H, W, C]
    # losses
    loss_e = jnp.mean((jax.lax.stop_gradient(quantized_x) - x_p) ** 2)
    loss_q = jnp.mean((quantized_x - jax.lax.stop_gradient(x_p)) ** 2)
    loss = loss_q + THRESHOLD_LOSS * loss_e
    # straight-through estimator
    quantized_st = x_p + jax.lax.stop_gradient(quantized_x - x_p)
    quantized_out = jnp.transpose(quantized_st, (0, 3, 1, 2))  # [B, C, H, W]
    return (loss, quantized_out, index_e, encoded_e)

if __name__ == "__main__":
    import jax
    _d = setup_inputs()
    print(jax.jit(kernel)(*tuple(_d.values())))

</pallas_src>

<mosaic_0001>
#map = affine_map<(d0, d1) -> (0, 0)>
#map1 = affine_map<(d0, d1) -> (0)>
module attributes {stable_mosaic.version = 14 : i64} {
  func.func @_sc_quantize(%arg0: i32, %arg1: i32, %arg2: memref<8192x128xf32, #tpu.memory_space<hbm>>, %arg3: memref<8192xi32, #tpu.memory_space<hbm>>, %arg4: memref<262144xf32, #tpu.memory_space<hbm>>, %arg5: memref<262144xf32, #tpu.memory_space<hbm>>, %arg6: memref<32x16xf32, #tpu.memory_space<hbm>>, %arg7: memref<256xi32, #tpu.memory_space<vmem>>, %arg8: memref<256x128xf32, #tpu.memory_space<vmem>>, %arg9: memref<8192xf32, #tpu.memory_space<vmem>>, %arg10: memref<8192xf32, #tpu.memory_space<vmem>>, %arg11: memref<16xf32, #tpu.memory_space<vmem>>, %arg12: memref<!tpu.dma_semaphore, #tpu.memory_space<semaphore_mem>>) attributes {dimension_semantics = [#tpu.dimension_semantics<core_parallel>, #tpu.dimension_semantics<subcore_parallel>], iteration_bounds = array<i64: 2, 16>, scalar_prefetch = 0 : i64, scratch_operands = 6 : i64, tpu.core_type = #tpu.core_type<sc_vector_subcore>, window_params = [{transform_indices = #map}, {transform_indices = #map1}, {transform_indices = #map1}, {transform_indices = #map1}, {transform_indices = #map}]} {
    %mul3A = arith.constant 2 : i32
    %mul3A_0 = arith.muli %arg1, %mul3A : i32
    %add3A = arith.addi %mul3A_0, %arg0 : i32
    %mul3A_1 = arith.constant 256 : i32
    %mul3A_2 = arith.muli %add3A, %mul3A_1 : i32
    "tpu.region"() ({
      %run_scoped3A = tpu.sem_alloc : memref<!tpu.dma_semaphore, #tpu.memory_space<semaphore_mem>>
      %dma_start3A_20 = tpu.memref_slice %arg3[%mul3A_2] : memref<8192xi32, #tpu.memory_space<hbm>> -> memref<256xi32, #tpu.memory_space<hbm>>
      %dma_start3A_21 = tpu.memref_slice %arg3[%mul3A_2] : memref<8192xi32, #tpu.memory_space<hbm>> -> memref<256xi32, #tpu.memory_space<hbm>>
      tpu.enqueue_dma source(%dma_start3A_21 : memref<256xi32, #tpu.memory_space<hbm>>) target(%arg7 : memref<256xi32, #tpu.memory_space<vmem>>) target_semaphore(%run_scoped3A : memref<!tpu.dma_semaphore, #tpu.memory_space<semaphore_mem>>)
      %dma_wait3A_22 = tpu.memref_slice %arg3[%mul3A_2] : memref<8192xi32, #tpu.memory_space<hbm>> -> memref<256xi32, #tpu.memory_space<hbm>>
      %dma_wait3A_23 = tpu.memref_slice %arg3[%mul3A_2] : memref<8192xi32, #tpu.memory_space<hbm>> -> memref<256xi32, #tpu.memory_space<hbm>>
      tpu.wait_dma2 semaphore(%run_scoped3A : memref<!tpu.dma_semaphore, #tpu.memory_space<semaphore_mem>>) src(%dma_wait3A_23 : memref<256xi32, #tpu.memory_space<hbm>>) dst(%arg7 : memref<256xi32, #tpu.memory_space<vmem>>)
      tpu.yield
    }) : () -> ()
    %dma_start3A = arith.constant 0 : i32
    %dma_start3A_3 = arith.constant 0 : i32
    %dma_start3A_4 = tpu.memref_slice %arg2[%dma_start3A, %dma_start3A_3] : memref<8192x128xf32, #tpu.memory_space<hbm>> -> memref<8192x128xf32, #tpu.memory_space<hbm>>
    tpu.enqueue_indirect_dma source(%dma_start3A_4 : memref<8192x128xf32, #tpu.memory_space<hbm>>) target(%arg8 : memref<256x128xf32, #tpu.memory_space<vmem>>) offsets(%arg7 : memref<256xi32, #tpu.memory_space<vmem>>) semaphore(%arg12 : memref<!tpu.dma_semaphore, #tpu.memory_space<semaphore_mem>>)
    %dma_wait3A = arith.constant 0 : i32
    %dma_wait3A_5 = arith.constant 0 : i32
    %dma_wait3A_6 = tpu.memref_slice %arg2[%dma_wait3A, %dma_wait3A_5] : memref<8192x128xf32, #tpu.memory_space<hbm>> -> memref<8192x128xf32, #tpu.memory_space<hbm>>
    tpu.wait_indirect_dma semaphore(%arg12 : memref<!tpu.dma_semaphore, #tpu.memory_space<semaphore_mem>>) src(%dma_wait3A_6 : memref<8192x128xf32, #tpu.memory_space<hbm>>) dst(%arg8 : memref<256x128xf32, #tpu.memory_space<vmem>>)
    %mul3A_7 = arith.constant 32 : i32
    %mul3A_8 = arith.muli %mul3A_2, %mul3A_7 : i32
    "tpu.region"() ({
      %run_scoped3A = tpu.sem_alloc : memref<!tpu.dma_semaphore, #tpu.memory_space<semaphore_mem>>
      %dma_start3A_20 = tpu.memref_slice %arg4[%mul3A_8] : memref<262144xf32, #tpu.memory_space<hbm>> -> memref<8192xf32, #tpu.memory_space<hbm>>
      %dma_start3A_21 = tpu.memref_slice %arg4[%mul3A_8] : memref<262144xf32, #tpu.memory_space<hbm>> -> memref<8192xf32, #tpu.memory_space<hbm>>
      tpu.enqueue_dma source(%dma_start3A_21 : memref<8192xf32, #tpu.memory_space<hbm>>) target(%arg9 : memref<8192xf32, #tpu.memory_space<vmem>>) target_semaphore(%run_scoped3A : memref<!tpu.dma_semaphore, #tpu.memory_space<semaphore_mem>>)
      %dma_wait3A_22 = tpu.memref_slice %arg4[%mul3A_8] : memref<262144xf32, #tpu.memory_space<hbm>> -> memref<8192xf32, #tpu.memory_space<hbm>>
      %dma_wait3A_23 = tpu.memref_slice %arg4[%mul3A_8] : memref<262144xf32, #tpu.memory_space<hbm>> -> memref<8192xf32, #tpu.memory_space<hbm>>
      tpu.wait_dma2 semaphore(%run_scoped3A : memref<!tpu.dma_semaphore, #tpu.memory_space<semaphore_mem>>) src(%dma_wait3A_23 : memref<8192xf32, #tpu.memory_space<hbm>>) dst(%arg9 : memref<8192xf32, #tpu.memory_space<vmem>>)
      tpu.yield
    }) : () -> ()
    %broadcast_in_dim3A = arith.constant 0.000000e+00 : f32
    %broadcast_in_dim3A_9 = vector.broadcast %broadcast_in_dim3A : f32 to vector<16xf32>
    %swap3A = arith.constant 0 : index
    %swap3A_10 = tpu.vector_load %arg11[%swap3A] {strides = array<i32>} : memref<16xf32, #tpu.memory_space<vmem>>, vector<16xf32>,
    %swap3A_11 = vector.shape_cast %swap3A_10 : vector<16xf32> to vector<16xf32>
    %swap3A_12 = vector.shape_cast %broadcast_in_dim3A_9 : vector<16xf32> to vector<16xf32>
    tpu.vector_store %arg11[%swap3A], %swap3A_12 {strides = array<i32>} : memref<16xf32, #tpu.memory_space<vmem>>, vector<16xf32>,
    %scan3A = arith.constant 0 : i32
    %scan3A_13 = arith.constant 0 : i32
    %scan3A_14 = arith.constant 256 : i32
    %scan3A_15 = arith.addi %scan3A_13, %scan3A_14 : i32
    %scan3A_16 = arith.constant 1 : i32
    scf.for %scan3A_20 = %scan3A_13 to %scan3A_15 step %scan3A_16  : i32 {
      %get3A = arith.index_cast %scan3A_20 : i32 to index
      %get3A_21 = arith.constant 0 : index
      %get3A_22 = tpu.vector_load %arg8[%get3A, %get3A_21] {strides = array<i32>} : memref<256x128xf32, #tpu.memory_space<vmem>>, vector<1x16xf32>,
      %get3A_23 = vector.shape_cast %get3A_22 : vector<1x16xf32> to vector<16xf32>
      %mul3A_24 = arith.constant 32 : i32
      %mul3A_25 = arith.muli %scan3A_20, %mul3A_24 : i32
      %add3A_26 = arith.constant 0 : i32
      %add3A_27 = arith.addi %mul3A_25, %add3A_26 : i32
      %get3A_28 = arith.index_cast %add3A_27 : i32 to index
      %get3A_29 = tpu.vector_load %arg9[%get3A_28] {strides = array<i32>} : memref<8192xf32, #tpu.memory_space<vmem>>, vector<16xf32>,
      %get3A_30 = vector.shape_cast %get3A_29 : vector<16xf32> to vector<16xf32>
      %sub3A = arith.subf %get3A_23, %get3A_30 : vector<16xf32>
      %add3A_31 = arith.addf %get3A_30, %sub3A : vector<16xf32>
      %mul3A_32 = arith.constant 32 : i32
      %mul3A_33 = arith.muli %scan3A_20, %mul3A_32 : i32
      %add3A_34 = arith.constant 0 : i32
      %add3A_35 = arith.addi %mul3A_33, %add3A_34 : i32
      %swap3A_36 = arith.index_cast %add3A_35 : i32 to index
      %swap3A_37 = tpu.vector_load %arg10[%swap3A_36] {strides = array<i32>} : memref<8192xf32, #tpu.memory_space<vmem>>, vector<16xf32>,
      %swap3A_38 = vector.shape_cast %swap3A_37 : vector<16xf32> to vector<16xf32>
      %swap3A_39 = vector.shape_cast %add3A_31 : vector<16xf32> to vector<16xf32>
      tpu.vector_store %arg10[%swap3A_36], %swap3A_39 {strides = array<i32>} : memref<8192xf32, #tpu.memory_space<vmem>>, vector<16xf32>,
      %get3A_40 = arith.constant 0 : index
      %get3A_41 = tpu.vector_load %arg11[%get3A_40] {strides = array<i32>} : memref<16xf32, #tpu.memory_space<vmem>>, vector<16xf32>,
      %get3A_42 = vector.shape_cast %get3A_41 : vector<16xf32> to vector<16xf32>
      %mul3A_43 = arith.mulf %sub3A, %sub3A : vector<16xf32>
      %add3A_44 = arith.addf %get3A_42, %mul3A_43 : vector<16xf32>
      %swap3A_45 = arith.constant 0 : index
      %swap3A_46 = tpu.vector_load %arg11[%swap3A_45] {strides = array<i32>} : memref<16xf32, #tpu.memory_space<vmem>>, vector<16xf32>,
      %swap3A_47 = vector.shape_cast %swap3A_46 : vector<16xf32> to vector<16xf32>
      %swap3A_48 = vector.shape_cast %add3A_44 : vector<16xf32> to vector<16xf32>
      tpu.vector_store %arg11[%swap3A_45], %swap3A_48 {strides = array<i32>} : memref<16xf32, #tpu.memory_space<vmem>>, vector<16xf32>,
      %get3A_49 = arith.index_cast %scan3A_20 : i32 to index
      %get3A_50 = arith.constant 16 : index
      %get3A_51 = tpu.vector_load %arg8[%get3A_49, %get3A_50] {strides = array<i32>} : memref<256x128xf32, #tpu.memory_space<vmem>>, vector<1x16xf32>,
      %get3A_52 = vector.shape_cast %get3A_51 : vector<1x16xf32> to vector<16xf32>
      %mul3A_53 = arith.constant 32 : i32
      %mul3A_54 = arith.muli %scan3A_20, %mul3A_53 : i32
      %add3A_55 = arith.constant 16 : i32
      %add3A_56 = arith.addi %mul3A_54, %add3A_55 : i32
      %get3A_57 = arith.index_cast %add3A_56 : i32 to index
      %get3A_58 = tpu.vector_load %arg9[%get3A_57] {strides = array<i32>} : memref<8192xf32, #tpu.memory_space<vmem>>, vector<16xf32>,
      %get3A_59 = vector.shape_cast %get3A_58 : vector<16xf32> to vector<16xf32>
      %sub3A_60 = arith.subf %get3A_52, %get3A_59 : vector<16xf32>
      %add3A_61 = arith.addf %get3A_59, %sub3A_60 : vector<16xf32>
      %mul3A_62 = arith.constant 32 : i32
      %mul3A_63 = arith.muli %scan3A_20, %mul3A_62 : i32
      %add3A_64 = arith.constant 16 : i32
      %add3A_65 = arith.addi %mul3A_63, %add3A_64 : i32
      %swap3A_66 = arith.index_cast %add3A_65 : i32 to index
      %swap3A_67 = tpu.vector_load %arg10[%swap3A_66] {strides = array<i32>} : memref<8192xf32, #tpu.memory_space<vmem>>, vector<16xf32>,
      %swap3A_68 = vector.shape_cast %swap3A_67 : vector<16xf32> to vector<16xf32>
      %swap3A_69 = vector.shape_cast %add3A_61 : vector<16xf32> to vector<16xf32>
      tpu.vector_store %arg10[%swap3A_66], %swap3A_69 {strides = array<i32>} : memref<8192xf32, #tpu.memory_space<vmem>>, vector<16xf32>,
      %get3A_70 = arith.constant 0 : index
      %get3A_71 = tpu.vector_load %arg11[%get3A_70] {strides = array<i32>} : memref<16xf32, #tpu.memory_space<vmem>>, vector<16xf32>,
      %get3A_72 = vector.shape_cast %get3A_71 : vector<16xf32> to vector<16xf32>
      %mul3A_73 = arith.mulf %sub3A_60, %sub3A_60 : vector<16xf32>
      %add3A_74 = arith.addf %get3A_72, %mul3A_73 : vector<16xf32>
      %swap3A_75 = arith.constant 0 : index
      %swap3A_76 = tpu.vector_load %arg11[%swap3A_75] {strides = array<i32>} : memref<16xf32, #tpu.memory_space<vmem>>, vector<16xf32>,
      %swap3A_77 = vector.shape_cast %swap3A_76 : vector<16xf32> to vector<16xf32>
      %swap3A_78 = vector.shape_cast %add3A_74 : vector<16xf32> to vector<16xf32>
      tpu.vector_store %arg11[%swap3A_75], %swap3A_78 {strides = array<i32>} : memref<16xf32, #tpu.memory_space<vmem>>, vector<16xf32>,
    }
    %scan3A_17 = arith.constant 256 : i32
    %mul3A_18 = arith.constant 32 : i32
    %mul3A_19 = arith.muli %mul3A_2, %mul3A_18 : i32
    "tpu.region"() ({
      %run_scoped3A = tpu.sem_alloc : memref<!tpu.dma_semaphore, #tpu.memory_space<semaphore_mem>>
      %dma_start3A_20 = tpu.memref_slice %arg5[%mul3A_19] : memref<262144xf32, #tpu.memory_space<hbm>> -> memref<8192xf32, #tpu.memory_space<hbm>>
      %dma_start3A_21 = tpu.memref_slice %arg5[%mul3A_19] : memref<262144xf32, #tpu.memory_space<hbm>> -> memref<8192xf32, #tpu.memory_space<hbm>>
      tpu.enqueue_dma source(%arg10 : memref<8192xf32, #tpu.memory_space<vmem>>) target(%dma_start3A_21 : memref<8192xf32, #tpu.memory_space<hbm>>) target_semaphore(%run_scoped3A : memref<!tpu.dma_semaphore, #tpu.memory_space<semaphore_mem>>)
      %dma_wait3A_22 = tpu.memref_slice %arg5[%mul3A_19] : memref<262144xf32, #tpu.memory_space<hbm>> -> memref<8192xf32, #tpu.memory_space<hbm>>
      %dma_wait3A_23 = tpu.memref_slice %arg5[%mul3A_19] : memref<262144xf32, #tpu.memory_space<hbm>> -> memref<8192xf32, #tpu.memory_space<hbm>>
      tpu.wait_dma2 semaphore(%run_scoped3A : memref<!tpu.dma_semaphore, #tpu.memory_space<semaphore_mem>>) src(%arg10 : memref<8192xf32, #tpu.memory_space<vmem>>) dst(%dma_wait3A_23 : memref<8192xf32, #tpu.memory_space<hbm>>)
      tpu.yield
    }) : () -> ()
    "tpu.region"() ({
      %run_scoped3A = tpu.sem_alloc : memref<!tpu.dma_semaphore, #tpu.memory_space<semaphore_mem>>
      %dma_start3A_20 = arith.constant 0 : i32
      %dma_start3A_21 = tpu.memref_slice %arg6[%add3A, %dma_start3A_20] : memref<32x16xf32, #tpu.memory_space<hbm>> -> memref<1x16xf32, #tpu.memory_space<hbm>>
      %dma_start3A_22 = tpu.memref_squeeze %dma_start3A_21 : memref<1x16xf32, #tpu.memory_space<hbm>> -> memref<16xf32, #tpu.memory_space<hbm>>
      %dma_start3A_23 = arith.constant 0 : i32
      %dma_start3A_24 = tpu.memref_slice %arg6[%add3A, %dma_start3A_23] : memref<32x16xf32, #tpu.memory_space<hbm>> -> memref<1x16xf32, #tpu.memory_space<hbm>>
      %dma_start3A_25 = tpu.memref_squeeze %dma_start3A_24 : memref<1x16xf32, #tpu.memory_space<hbm>> -> memref<16xf32, #tpu.memory_space<hbm>>
      tpu.enqueue_dma source(%arg11 : memref<16xf32, #tpu.memory_space<vmem>>) target(%dma_start3A_25 : memref<16xf32, #tpu.memory_space<hbm>>) target_semaphore(%run_scoped3A : memref<!tpu.dma_semaphore, #tpu.memory_space<semaphore_mem>>)
      %dma_wait3A_26 = arith.constant 0 : i32
      %dma_wait3A_27 = tpu.memref_slice %arg6[%add3A, %dma_wait3A_26] : memref<32x16xf32, #tpu.memory_space<hbm>> -> memref<1x16xf32, #tpu.memory_space<hbm>>
      %dma_wait3A_28 = tpu.memref_squeeze %dma_wait3A_27 : memref<1x16xf32, #tpu.memory_space<hbm>> -> memref<16xf32, #tpu.memory_space<hbm>>
      %dma_wait3A_29 = arith.constant 0 : i32
      %dma_wait3A_30 = tpu.memref_slice %arg6[%add3A, %dma_wait3A_29] : memref<32x16xf32, #tpu.memory_space<hbm>> -> memref<1x16xf32, #tpu.memory_space<hbm>>
      %dma_wait3A_31 = tpu.memref_squeeze %dma_wait3A_30 : memref<1x16xf32, #tpu.memory_space<hbm>> -> memref<16xf32, #tpu.memory_space<hbm>>
      tpu.wait_dma2 semaphore(%run_scoped3A : memref<!tpu.dma_semaphore, #tpu.memory_space<semaphore_mem>>) src(%arg11 : memref<16xf32, #tpu.memory_space<vmem>>) dst(%dma_wait3A_31 : memref<16xf32, #tpu.memory_space<hbm>>)
      tpu.yield
    }) : () -> ()
    return
  }
}

module attributes {stable_mosaic.version = 14 : i64} {
  func.func @_oh_block(%arg0: i32, %arg1: memref<1x1x256xi32, #tpu.memory_space<vmem>>, %arg2: memref<256x8192xf32, #tpu.memory_space<vmem>>) attributes {dimension_semantics = [#tpu.dimension_semantics<arbitrary>], iteration_bounds = array<i64: 32>, scalar_prefetch = 0 : i64, scratch_operands = 0 : i64, tpu.core_type = #tpu.core_type<tc>, window_params = [{transform_indices = @transform_0, window_bounds = array<i64: 1, 1, 256>}, {transform_indices = @transform_1, window_bounds = array<i64: 256, 8192>}]} {
    %get3A = arith.constant 0 : index
    %get3A_0 = arith.constant 0 : index
    %get3A_1 = arith.constant 0 : index
    %get3A_2 = vector.load %arg1[%get3A, %get3A_0, %get3A_1] : memref<1x1x256xi32, #tpu.memory_space<vmem>>, vector<1x1x256xi32>
    %get3A_3 = vector.shape_cast %get3A_2 : vector<1x1x256xi32> to vector<256xi32>
    %iota3A = tpu.iota {dimensions = array<i32: 1>} : vector<256x8192xi32>
    %broadcast_in_dim3A = vector.shape_cast %get3A_3 : vector<256xi32> to vector<256x1xi32>
    %eq3A = vector.broadcast %broadcast_in_dim3A : vector<256x1xi32> to vector<256x8192xi32>
    %eq3A_4 = arith.cmpi eq, %iota3A, %eq3A : vector<256x8192xi32>
    %jit3A = arith.constant 1.000000e+00 : f32
    %jit3A_5 = arith.constant 0.000000e+00 : f32
    %broadcast_in_dim3A_6 = vector.broadcast %jit3A : f32 to vector<256x8192xf32>
    %broadcast_in_dim3A_7 = vector.broadcast %jit3A_5 : f32 to vector<256x8192xf32>
    %select_n3A = arith.select %eq3A_4, %broadcast_in_dim3A_6, %broadcast_in_dim3A_7 : vector<256x8192xi1>, vector<256x8192xf32>
    %swap3A = arith.constant 0 : index
    %swap3A_8 = arith.constant 0 : index
    %swap3A_9 = vector.load %arg2[%swap3A, %swap3A_8] : memref<256x8192xf32, #tpu.memory_space<vmem>>, vector<256x8192xf32>
    tpu.vector_store %arg2[%swap3A, %swap3A_8], %select_n3A {strides = array<i32>} : memref<256x8192xf32, #tpu.memory_space<vmem>>, vector<256x8192xf32>,
    return
  }
  func.func @transform_0(%arg0: i32) -> (i32, i32, i32) {
    %c0_i32 = arith.constant 0 : i32
    %c0_i32_0 = arith.constant 0 : i32
    %c0_i32_1 = arith.constant 0 : i32
    return %arg0, %c0_i32, %c0_i32_0 : i32, i32, i32
  }
  func.func @transform_1(%arg0: i32) -> (i32, i32) {
    %c0_i32 = arith.constant 0 : i32
    %c0_i32_0 = arith.constant 0 : i32
    return %arg0, %c0_i32 : i32, i32
  }
}

</mosaic_0001>

<sc_bundles>
// kernel: kernel.4.cloned.1.call-start
scs
__scs_entry_jumppad:
0x0: {  	(pc) =	sbr.rel $0x88, $3  }
0x1: {  	(tag) =	ssettag $0x0;
	lr =	simm.s32 $0x1  }
0x2: {  	[smem:$0x3F9F] =	sst lr;
	_ =	strace $0xD0000000  }
0x3: {  	_ = 	snop  }
0x4: {  	_ = 	snop  }
0x5: {  	_ = 	snop  }
0x6: {  	_ = 	snop  }
0x7: {  	_ = 	snop  }
__scs_overlays_trampoline_lowered:
0x8: {  	[smem:$0x3FAE] =	sst s0  }
0x9: {  	[smem:$0x3FAF] =	sst s1  }
0xa: {  	[smem:$0x3FB0] =	sst s2  }
0xb: {  	[smem:$0x3FB1] =	sst s3  }
0xc: {  	[smem:$0x3FB2] =	sst s4  }
0xd: {  	[smem:$0x3FB3] =	sst s5  }
0xe: {  	[smem:$0x3FB4] =	sst s6  }
0xf: {  	[smem:$0x3FB5] =	sst s7  }
0x10: {  	[smem:$0x3FB6] =	sst s8  }
0x11: {  	[smem:$0x3FB7] =	sst s9;
	s0 =	simm.s32 @!p0 $0x0  }
0x12: {  	s1 =	sld [smem:$0x3F9D];
	s0 =	simm.s32 @p0 $0x1  }
0x13: {  	[smem:$0x3FB8] =	sst s0;
	s0 =	simm.s32 @!p1 $0x0  }
0x14: {  	s2 =	sld [smem:$0x3F9C];
	s0 =	simm.s32 @p1 $0x1  }
0x15: {  	[smem:$0x3FB9] =	sst s0;
	s0 =	simm.s32 @!p2 $0x0  }
0x16: {  	s3 =	sld [smem:$0x3FDB];
	s0 =	simm.s32 @p2 $0x1  }
0x17: {  	s4 =	simm.s32 $0x1BF5;
	[smem:$0x3FBB] =	sst s0  }
0x18: {  	s0 =	sld [smem:$0x3F9E];
	_ =	swait.ge [sflag:s4], $0x0  }
0x19: {  	s7 =	sld [smem:$0x3F9F]  }
0x1a: {  	s8 =	sadd.s32 $0xFFFFE003, lr  }
0x1b: {  	s9 =	sadd.s32 $0xFFFFFEF7, lr;
	s5 =	simm.s32 $0xFFFFFFFF;
	p2 =	slt.u32 s8, $0xFFFFF086  }
0x1c: {  	p1 =	slt.u32 s9, $0xF7A;
	s5 =	simm.s32 @!p2 $0x0  }
0x1d: {  	s5 =	simm.s32 @p1 $0x1;
	p0 =	seq.s32 s7, s2  }
0x1e: {  	s7 =	smul.u32 @!p0 $0xF7A, s2;
	p2 =	seq.s32 @!p0 s5, $0x0  }
0x1f: {  	s9 =	smul.u32 $0xF7A, s1;
	s8 =	simm.s32 @!p0 $0x1BF5;
	p2 =	por !p2, p0  }
0x20: {  	[sflag:s8] =	ssyncset.s32 @!p0 $0xFFFFF086;
	s6 =	sadd.s32 @!p0 s3, s7;
	s7 =	simm.s32 @!p0 $0x108  }
0x21: {  	s3 =	sadd.s32 s3, s9;
	s6 =	sadd.s32 @!p0 $0x88, s6;
	s7 =	simm.s32 @p2 $0x1082  }
0x22: {  	[simem:s7], [sflag:s8] =	dma.local @!p0 [hbm:s6], $0xF7A  }
0x23: {  	s9 =	sor.u32 $0xD0000000, s2;
	s6 =	simm.s32 $0x108;
	_ =	swait.ge @!p0 [sflag:s8], $0x0  }
0x24: {  	s3 =	sadd.s32 $0x88, s3;
	s6 =	simm.s32 @!p1 $0x1082;
	[sflag:s4] =	ssyncset.s32 $0xFFFFF086  }
0x25: {  	[simem:s6], [sflag:s4] =	dma.local [hbm:s3], $0xF7A  }
0x26: {  	[smem:$0x3F9F] =	sst s1;
	(tag) =	ssettag s2;
	_ =	strace s9  }
0x27: {  	s1 =	sld [smem:$0x3FAF]  }
0x28: {  	s2 =	sld [smem:$0x3FB0]  }
0x29: {  	s4 =	sld [smem:$0x3FB2]  }
0x2a: {  	p0 =	seq.s32 s5, $0x0;
	s5 =	sld [smem:$0x3FB3]  }
0x2b: {  	s6 =	sld [smem:$0x3FB4]  }
0x2c: {  	s7 =	sld [smem:$0x3FB5]  }
0x2d: {  	s3 =	simm.s32 $0x108;
	s8 =	sld [smem:$0x3FB6]  }
0x2e: {  	s3 =	simm.s32 @!p0 $0x1082;
	s9 =	sld [smem:$0x3FB7]  }
0x2f: {  	lr =	sadd.s32 s0, s3;
	s0 =	sld [smem:$0x3FAE]  }
0x30: {  	s3 =	sld [smem:$0x3FB1]  }
0x31: {  	[smem:$0x3FBA] =	sst s10  }
0x32: {  	s10 =	sld [smem:$0x3FB8];
	_ =	sdelay $0x3  }
0x33: {  	p0 =	seq.s32 s10, $0x1;
	s10 =	sld [smem:$0x3FBA];
	_ =	sdelay $0x3  }
0x34: {  	[smem:$0x3FBA] =	sst s10  }
0x35: {  	s10 =	sld [smem:$0x3FB9];
	_ =	sdelay $0x3  }
0x36: {  	p1 =	seq.s32 s10, $0x1;
	s10 =	sld [smem:$0x3FBA];
	_ =	sdelay $0x3  }
0x37: {  	[smem:$0x3FBA] =	sst s10  }
0x38: {  	s10 =	sld [smem:$0x3FBB]  }
0x39: {  	_ = 	snop;
	(pc) =	sbr.ind lr, $3  }
0x3a: {  	_ = 	snop  }
0x3b: {  	_ = 	snop  }
0x3c: {  	p2 =	seq.s32 s10, $0x1;
	s10 =	sld [smem:$0x3FBA]  }
0x3d: {  	_ =	shalt  }
0x3e: {  	_ =	shalt  }
0x3f: {  	_ =	shalt  }
0x40: {  	_ =	shalt  }
0x41: {  	_ =	shalt  }
0x42: {  	_ =	shalt  }
0x43: {  	_ =	shalt  }
0x44: {  	_ =	shalt  }
0x45: {  	_ =	shalt  }
0x46: {  	_ =	shalt  }
0x47: {  	_ =	shalt  }
0x48: {  	_ =	shalt  }
0x49: {  	_ =	shalt  }
0x4a: {  	_ =	shalt  }
0x4b: {  	_ =	shalt  }
0x4c: {  	_ =	shalt  }
0x4d: {  	_ =	shalt  }
0x4e: {  	_ =	shalt  }
0x4f: {  	_ =	shalt  }
0x50: {  	_ =	shalt  }
0x51: {  	_ =	shalt  }
0x52: {  	_ =	shalt  }
0x53: {  	_ =	shalt  }
0x54: {  	_ =	shalt  }
0x55: {  	_ =	shalt  }
0x56: {  	_ =	shalt  }
0x57: {  	_ =	shalt  }
0x58: {  	_ =	shalt  }
0x59: {  	_ =	shalt  }
0x5a: {  	_ =	shalt  }
0x5b: {  	_ =	shalt  }
0x5c: {  	_ =	shalt  }
0x5d: {  	_ =	shalt  }
0x5e: {  	_ =	shalt  }
0x5f: {  	_ =	shalt  }
0x60: {  	_ =	shalt  }
0x61: {  	_ =	shalt  }
0x62: {  	_ =	shalt  }
0x63: {  	_ =	shalt  }
0x64: {  	_ =	shalt  }
0x65: {  	_ =	shalt  }
0x66: {  	_ =	shalt  }
0x67: {  	_ =	shalt  }
0x68: {  	_ =	shalt  }
0x69: {  	_ =	shalt  }
0x6a: {  	_ =	shalt  }
0x6b: {  	_ =	shalt  }
0x6c: {  	_ =	shalt  }
0x6d: {  	_ =	shalt  }
0x6e: {  	_ =	shalt  }
0x6f: {  	_ =	shalt  }
0x70: {  	_ =	shalt  }
0x71: {  	_ =	shalt  }
0x72: {  	_ =	shalt  }
0x73: {  	_ =	shalt  }
0x74: {  	_ =	shalt  }
0x75: {  	_ =	shalt  }
0x76: {  	_ =	shalt  }
0x77: {  	_ =	shalt  }
0x78: {  	_ =	shalt  }
0x79: {  	_ =	shalt  }
0x7a: {  	_ =	shalt  }
0x7b: {  	_ =	shalt  }
0x7c: {  	_ =	shalt  }
0x7d: {  	_ =	shalt  }
0x7e: {  	_ =	shalt  }
0x7f: {  	_ =	shalt  }
0x80: {  	_ =	shalt  }
0x81: {  	_ =	shalt  }
0x82: {  	_ =	shalt  }
0x83: {  	_ =	shalt  }
0x84: {  	_ =	shalt  }
0x85: {  	_ =	shalt  }
0x86: {  	_ =	shalt  }
0x87: {  	_ =	shalt  }
.Lfunc_end0:
.L_simem_size_0:
called_computation_lowered:
.L_overlay_start_0:
0x88: {  	s2 =	sld [smem:$0x3FD9]  }
0x89: {  	s3 =	sld [smem:$0x3FFE];
	_ =	sdelay $0x1  }
0x8a: {  	s1 =	srdreg.scid  }
0x8b: {  	s0 =	sand.u32 $0x1, s1  }
0x8c: {  	s14 =	sshll.u32 s0, $0xA;
	s2 =	sadd.s32 s3, s2  }
0x8d: {  	s2 =	sadd.s32 s2, s14  }
0x8e: {  	[smem:$0x3FC6] =	sst s2  }
0x8f: {  	_ = 	snop  }
0x90: {  	s2 =	sld [smem:$0x3FD0];
	_ =	sdelay $0x2  }
0x91: {  	s15 =	simm.s32 $0xA;
	s4 =	simm.s32 $0x10  }
0x92: {  	[smem:s4], [sflag:s15] =	dma.local [hbm:s2], $0x1  }
0x93: {  	_ =	swait.eq [sflag:s15], $0x1  }
0x94: {  	[sflag:s15] =	ssyncset.done $0x0  }
0x95: {  	s16 =	sld [smem:$0x11];
	[sflag:s15] =	ssyncadd.s32 $0xFFFFFFFF  }
0x96: {  	s17 =	sld [smem:$0x13];
	(tm) =	ssettm $0x1  }
0x97: {  	s18 =	sld [smem:$0x3FFB];
	_ =	sdelay $0x3  }
0x98: {  	_ =	strace s18  }
0x99: {  	s4 =	sld [smem:$0x3FFC];
	_ =	sdelay $0x3  }
0x9a: {  	_ =	strace s4  }
0x9b: {  	s4 =	sld [smem:$0x3FFD];
	_ =	sdelay $0x3  }
0x9c: {  	_ =	strace s4  }
0x9d: {  	_ =	strace $0x8FFFFFFF  }
0x9e: {  	s19 =	sld [smem:$0x3FDB];
	_ =	sdelay $0x1  }
0x9f: {  	s5 =	simm.s32 $_scs_section_size  }
0xa0: {  	s6 =	simm.s32 $_size__tile_overlayer_lowered;
	s7 =	simm.s32 $_tile_overlayer_lowered  }
0xa1: {  	s22 =	simm.s32 $0x1BFF;
	s21 =	sshll.u32 s7, $0x1;
	s4 =	sadd.s32 s5, s19  }
0xa2: {  	s8 =	simm.s32 $0x0;
	s20 =	sshll.u32 s6, $0x1;
	s6 =	sadd.s32 s21, s4  }
0xa3: {  	[timem:s8], [sflag:s22] =	dma.local [hbm:s6], s20  }
0xa4: {  	_ =	swait.ge [sflag:s22], s20  }
0xa5: {  	s5 =	ssub.s32 $0x0, s20;
	[sflag:s22] =	ssyncset.done $0x0  }
0xa6: {  	[sflag:s22] =	ssyncadd.s32 s5;
	_ =	sdelay $0x1  }
0xa7: {  	s23 =	simm.s32 $0x1B8B  }
0xa8: {  	_ =	swait.ge [sflag:s23], $0x1  }
0xa9: {  	[sflag:s23] =	ssyncset.done $0x0  }
0xaa: {  	s25 =	simm.s32 $0x1B8E;
	s24 =	sld [smem:$0x3FFE];
	[sflag:s23] =	ssyncadd.s32 $0xFFFFFFFF  }
0xab: {  	s26 =	simm.s32 $execute0_lowered;
	[smem:$0x3FD2] =	sst s25  }
0xac: {  	s6 =	sshll.u32 s26, $0x1;
	_ =	strace $0x80000046;
	[dreg:$0x1] =	wrdreg $0xFFFFFFFF  }
0xad: {  	s28 =	simm.s32 $_size_execute0_lowered;
	s4 =	sadd.s32 s4, s6;
	[dreg:$0x0] =	wrdreg $0x0  }
0xae: {  	s6 =	sshll.u32 s28, $0x1;
	[dreg:$0x2] =	wrdreg s4  }
0xaf: {  	[dreg:$0x3] =	wrdreg s6  }
0xb0: {  	[dreg:$0x4] =	wrdreg $0xC0  }
0xb1: {  	_ =	task [dreg:s8], $0x5FFFF  }
0xb2: {  	[dreg:$0x1] =	wrdreg $0xFFFFFFFF  }
0xb3: {  	[dreg:$0x0] =	wrdreg $0x60  }
0xb4: {  	[dreg:$0x2] =	wrdreg s24  }
0xb5: {  	[dreg:$0x3] =	wrdreg s17  }
0xb6: {  	[dreg:$0x4] =	wrdreg s16  }
0xb7: {  	[dreg:$0x5] =	wrdreg $0x9  }
0xb8: {  	_ =	task.clear_ibuf [dreg:s8], $0x6FFFF;
	_ =	strace $0x90000046  }
0xb9: {  	s29 =	simm.s32 $0x9;
	_ =	strace $0x80000048  }
0xba: {  	_ =	swait.ge [sflag:s29], $0x1  }
0xbb: {  	[sflag:s29] =	ssyncadd.s32 $0xFFFFFFFF  }
0xbc: {  	_ =	strace $0x90000048  }
0xbd: {  	_ =	sfence  }
0xbe: {  	s30 =	sld [smem:$0x0];
	_ =	sdelay $0x2  }
0xbf: {  	s31 =	sshll.u32 s1, $0xD;
	s1 =	sshrl.u32 s1, $0x2  }
0xc0: {  	s3 =	sand.u32 $0x4000, s31;
	s1 =	sadd.s32 s1, s30  }
0xc1: {  	s0 =	sor.u32 s3, s0;
	s1 =	sshll.u32 s1, $0x11  }
0xc2: {  	s0 =	sor.u32 s1, s0  }
0xc3: {  	s0 =	sadd.s32 $0x8F2B, s0  }
0xc4: {  	[sflag:s0] =	ssyncadd.remote.s32 $0x1  }
0xc5: {  	_ =	sfence.sel $0xFFFF  }
0xc6: {  	[dreg:$0x0] =	wrdreg $0xFFFFFFFF;
	(pc) =	sbr.abs _section_cstart, $3  }
0xc7: {  	[dreg:$0x1] =	wrdreg $0xFFFFFFFF  }
0xc8: {  	_ =	task.clear_ibuf [dreg:s8], $0x2FFFF;
	_ =	strace $0x9FFFFFFF  }
0xc9: {  	(tm) =	ssettm $0x7FFFFFFF  }
tec
execute0_lowered:
.L_overlay_start_1:
0x0: {  	(tag) =	ssettag $0x1  }
0x1: {  	s1 =	rddreg [dreg:$0x0]  }
0x2: {  	s4 =	rddreg [dreg:$0x1]  }
0x3: {  	s5 =	rddreg [dreg:$0x2]  }
0x4: {  	s0 =	rddreg [dreg:$0x3];
	s6 =	srdreg.scid  }
0x5: {  	s2 =	stileid.u32;
	s3 =	simm.s32 $0x0;
	s12 =	simm.s32 $0x8100  }
0x6: {  	s13 =	simm.s32 $0xA100;
	s14 =	simm.s32 $0xC100;
	s15 =	simm.s32 $0x0  }
0x7: {  	s6 =	sand.u32 $0x1, s6;
	s7 =	sshll.u32 s2, $0x1;
	[smem:$0x7FF] =	sst s3  }
0x8: {  	s7 =	sor.u32 s6, s7;
	_ =	strace $0x80000047;
	s6 =	ssub.s32 $0x2, s6  }
0x9: {  	s8 =	sshll.u32 s7, $0xA;
	s10 =	sshll.u32 s7, $0x4;
	s11 =	sshrl.u32 s6, $0x1  }
0xa: {  	s31 =	sshll.u32 s7, $0x5;
	s9 =	sadd.s32 s8, s1;
	s10 =	sadd.s32 s10, s1  }
0xb: {  	s11 =	ssub.s32 s6, s11;
	s4 =	sadd.s32 s4, s31;
	s5 =	sadd.s32 s5, s8  }
0xc: {  	s6 =	sadd.s32 $0x20200, s9;
	s7 =	sadd.s32 $0x20000, s10;
	s8 =	smax.u32 s11, $0x1  }
0xd: {  	v0 =	vimm.f32 $0.0e+00;
	s9 =	simm.s32 $0x2;
	s10 =	simm.s32 $0x100;
	s11 =	simm.s32 $0x1  }
.LBB2_1:
0xe: {  	[tilespmem:s3], [sflag:$0x2] =	stream.linear.gather [hbm4b:s4+s3], $0x100, $0x38;
	[tilespmem:$0xC180] =	vst v63  }
0xf: {  	_ =	swait.ge [sflag:s9], $0x100  }
0x10: {  	[sflag:s9] =	ssyncset.done $0x0  }
0x11: {  	[sflag:s9] =	ssyncadd.s32 $0xFFFFFF00  }
0x12: {  	[tilespmem:s10], [sflag:$0x1] =	stream.indirect.gather [hbm4b:s1+s10], $0x80, s3, s10, $0xb8;
	[tilespmem:$0xC180] =	vst v63  }
0x13: {  	_ =	swait.ge [sflag:s11], $0x8000  }
0x14: {  	[sflag:s11] =	ssyncset.done $0x0  }
0x15: {  	[sflag:s11] =	ssyncadd.s32 $0xFFFF8000  }
0x16: {  	[tilespmem:s12], [sflag:$0x2] =	stream.linear.gather [hbm4b:s5+s3], $0x2000, $0x38;
	[tilespmem:$0xC180] =	vst v63  }
0x17: {  	_ =	swait.ge [sflag:s9], $0x2000  }
0x18: {  	[sflag:s9] =	ssyncset.done $0x0  }
0x19: {  	[sflag:s9] =	ssyncadd.s32 $0xFFFFE000  }
0x1a: {  	s16 =	simm.s32 $0x110;
	[tilespmem:$0xC100] =	vst v0  }
0x1b: {  	s17 =	simm.s32 $0x0;
	v1 =	vld [tilespmem:s16+$0xFFFFFFF0]  }
0x1c: {  	v2 =	vld [tilespmem:s17+$0x8100];
	_ =	sdelay $0x4  }
0x1d: {  	v1 =	vsub.f32 v1, v2;
	_ =	sdelay $0x1  }
0x1e: {  	v2 =	vadd.f32 v1, v2;
	_ =	sdelay $0x1  }
0x1f: {  	[tilespmem:s17+$0xA100] =	vst v2  }
0x20: {  	v2 =	vld [tilespmem:$0xC100];
	_ =	sdelay $0x2  }
0x21: {  	v1 =	vmul.f32 v1, v1;
	_ =	sdelay $0x1  }
0x22: {  	v1 =	vadd.f32 v1, v2;
	_ =	sdelay $0x1  }
0x23: {  	[tilespmem:$0xC100] =	vst v1  }
0x24: {  	v1 =	vld [tilespmem:s16+$0x0]  }
0x25: {  	v2 =	vld [tilespmem:s17+$0x8110];
	_ =	sdelay $0x4  }
0x26: {  	v1 =	vsub.f32 v1, v2;
	_ =	sdelay $0x1  }
0x27: {  	v2 =	vadd.f32 v1, v2;
	_ =	sdelay $0x1  }
0x28: {  	[tilespmem:s17+$0xA110] =	vst v2  }
0x29: {  	v2 =	vld [tilespmem:$0xC100];
	_ =	sdelay $0x2  }
0x2a: {  	v1 =	vmul.f32 v1, v1;
	_ =	sdelay $0x1  }
0x2b: {  	s17 =	simm.s32 $0x80;
	v1 =	vadd.f32 v1, v2  }
.LBB2_2:
0x2c: {  	p0 =	sne.s32 s17, $0x7F80  }
0x2d: {  	s16 =	sadd.s32 $0x80, s16;
	s18 =	smov.u32 s17;
	s17 =	sadd.s32 $0x80, s17  }
0x2e: {  	[tilespmem:$0xC100] =	vst v1  }
0x2f: {  	s18 =	sshra.s32 s18, $0x2;
	v1 =	vld [tilespmem:s16+$0xFFFFFFF0]  }
0x30: {  	v2 =	vld [tilespmem:s18+$0x8100];
	_ =	sdelay $0x4  }
0x31: {  	v1 =	vsub.f32 v1, v2;
	_ =	sdelay $0x1  }
0x32: {  	v2 =	vadd.f32 v1, v2;
	_ =	sdelay $0x1  }
0x33: {  	[tilespmem:s18+$0xA100] =	vst v2  }
0x34: {  	v2 =	vld [tilespmem:$0xC100];
	_ =	sdelay $0x2  }
0x35: {  	v1 =	vmul.f32 v1, v1;
	_ =	sdelay $0x1  }
0x36: {  	v1 =	vadd.f32 v1, v2;
	_ =	sdelay $0x1  }
0x37: {  	[tilespmem:$0xC100] =	vst v1  }
0x38: {  	v1 =	vld [tilespmem:s16+$0x0]  }
0x39: {  	v2 =	vld [tilespmem:s18+$0x8110];
	_ =	sdelay $0x4  }
0x3a: {  	v1 =	vsub.f32 v1, v2;
	_ =	sdelay $0x1  }
0x3b: {  	v2 =	vadd.f32 v1, v2;
	_ =	sdelay $0x1  }
0x3c: {  	[tilespmem:s18+$0xA110] =	vst v2  }
0x3d: {  	v2 =	vld [tilespmem:$0xC100]  }
.Ltmp0:
0x3e: {  	(pc) =	sbr.rel @p0 .LBB2_2-.Ltmp0, $2  }
0x3f: {  	v1 =	vmul.f32 v1, v1;
	_ =	sdelay $0x2  }
0x40: {  	v1 =	vadd.f32 v1, v2  }
0x41: {  	_ = 	snop  }
0x42: {  	[tilespmem:$0xC100] =	vst v1  }
0x43: {  	[hbm4b:s6+s3] =	stream.linear.scatter [tilespmem:s13], [sflag:$0x2], $0x2000, $0x38;
	[tilespmem:$0xC180] =	vst v63  }
0x44: {  	s15 =	sadd.s32 $0x1, s15;
	_ =	swait.ge [sflag:s9], $0x2000  }
0x45: {  	p0 =	sne.s32 s15, s8;
	[sflag:s9] =	ssyncset.done $0x0  }
.Ltmp1:
0x46: {  	[sflag:s9] =	ssyncadd.s32 $0xFFFFE000;
	(pc) =	sbr.rel @p0 .LBB2_1-.Ltmp1, $4  }
0x47: {  	[hbm4b:s7+s3] =	stream.linear.scatter [tilespmem:s14], [sflag:$0x2], $0x80, $0x38;
	[tilespmem:$0xC180] =	vst v63  }
0x48: {  	_ =	swait.ge [sflag:s9], $0x80  }
0x49: {  	[sflag:s9] =	ssyncset.done $0x0  }
0x4a: {  	[sflag:s9] =	ssyncadd.s32 $0xFFFFFF80  }
0x4b: {  	_ =	sfence.sel $0x180000  }
0x4c: {  	[bflag:$0x0] =	sbarrier.arrive $0xFFFF  }
0x4d: {  	p0 =	sne.s32 s2, $0x0;
	_ =	strace $0x90000047  }
0x4e: {  	s0 =	sadd.s32 @!p0 $0x100000, s0;
	[bflag:$0x2] =	sbarrier.arrive $0xFFFF  }
0x4f: {  	[sflag:s0] =	ssyncadd.tile.s32 @!p0 $0x1;
	_ =	shalt  }
.Lfunc_end2:
_tile_overlayer_lowered:
.L_overlay_start_2:
0x50: {  	(tag) =	ssettag $0x2  }
0x51: {  	s0 =	rddreg [dreg:$0x0];
	s2 =	stileid.u32  }
0x52: {  	s1 =	rddreg [dreg:$0x1];
	p0 =	sne.s32 s2, $0x0  }
0x53: {  	s3 =	rddreg [dreg:$0x2];
	[bflag:$0x3] =	sbarrier.arrive $0xFFFF;
	s2 =	simm.s32 @!p0 $0x1C02  }
0x54: {  	[timem:s3], [sflag:s2] =	dma.local @!p0 [hbm:s0], s1  }
0x55: {  	s0 =	simm.s32 @!p0 $0x2  }
0x56: {  	_ =	swait.ge @!p0 [sflag:s0], s1  }
0x57: {  	s1 =	ssub.s32 @!p0 $0x0, s1;
	[sflag:s0] =	ssyncset.done @!p0 $0x0  }
0x58: {  	[sflag:s0] =	ssyncadd.s32 @!p0 s1  }
0x59: {  	[bflag:$0x3] =	sbarrier.arrive $0xFFFF  }
0x5a: {  	_ =	shalt  }

</sc_bundles>
